<compile_context>
chip_gen: v7x
topology: tpu7x:2x2x1
jax: 0.10.2.dev20260603
libtpu: 0.0.44.dev20260713+nightly
codegen_flags: <defaults>
</compile_context>

<pallas_src>
import functools

import jax
import jax.numpy as jnp
from jax import lax
from jax.experimental import pallas as pl
from jax.experimental.pallas import tpu as pltpu
from jax.experimental.pallas import tpu_sc as plsc

_B, _L, _C = 16, 2048, 1024
_N = _B * _L

_CHUNK = 32


@functools.cache
def _sc_gather_call(n_rows: int, n_cols: int):
    info = plsc.get_sparse_core_info()
    nw = info.num_cores * info.num_subcores
    rows_per_worker = n_rows // nw
    n_chunks = rows_per_worker // _CHUNK
    mesh = plsc.VectorSubcoreMesh(core_axis_name="c", subcore_axis_name="s")

    @functools.partial(
        pl.kernel,
        mesh=mesh,
        out_type=jax.ShapeDtypeStruct((n_rows, n_cols), jnp.float32),
        scratch_types=[
            pltpu.VMEM((rows_per_worker,), jnp.int32),
            pltpu.VMEM((2, _CHUNK, n_cols), jnp.float32),
            pltpu.SemaphoreType.DMA,
            pltpu.SemaphoreType.DMA,
            pltpu.SemaphoreType.DMA,
            pltpu.SemaphoreType.DMA,
        ],
    )
    def gather(x_hbm, idx_hbm, out_hbm, idx_v, rows_v, g0, g1, s0, s1):
        wid = lax.axis_index("s") * info.num_cores + lax.axis_index("c")
        base = wid * rows_per_worker
        gsem = (g0, g1)
        ssem = (s0, s1)
        pltpu.sync_copy(idx_hbm.at[pl.ds(base, rows_per_worker)], idx_v)

        def start_gather(c, b):
            idx_slice = idx_v.at[pl.ds(c * _CHUNK, _CHUNK)]
            pltpu.async_copy(x_hbm.at[idx_slice], rows_v.at[b], gsem[b])

        def wait_gather(c, b):
            idx_slice = idx_v.at[pl.ds(c * _CHUNK, _CHUNK)]
            pltpu.make_async_copy(
                x_hbm.at[idx_slice], rows_v.at[b], gsem[b]
            ).wait()

        def start_scatter(c, b):
            pltpu.async_copy(
                rows_v.at[b], out_hbm.at[pl.ds(base + c * _CHUNK, _CHUNK)], ssem[b]
            )

        def wait_scatter(c, b):
            pltpu.make_async_copy(
                rows_v.at[b], out_hbm.at[pl.ds(base + c * _CHUNK, _CHUNK)], ssem[b]
            ).wait()

        for b in range(2):
            start_gather(b, b)

        def body(p, carry):
            for j in range(2):
                c = 2 * p + j
                wait_gather(c, j)
                start_scatter(c, j)

                @pl.when(jnp.logical_and(c >= 1, c < n_chunks - 1))
                def _():
                    wait_scatter(c - 1, 1 - j)
                    start_gather(c + 1, 1 - j)

            return carry

        lax.fori_loop(0, n_chunks // 2, body, 0)
        wait_scatter(n_chunks - 2, (n_chunks - 2) % 2)
        wait_scatter(n_chunks - 1, (n_chunks - 1) % 2)

    return gather


def kernel(x):
    B, L, C = x.shape
    perm1d = jax.random.permutation(jax.random.key(42), L)
    perm = jnp.tile(perm1d[None, :], (B, 1))
    src = (
        jnp.arange(B, dtype=jnp.int32)[:, None] * L + perm1d[None, :]
    ).reshape(-1)
    out = _sc_gather_call(B * L, C)(x.reshape(B * L, C), src)
    return out.reshape(B, L, C), perm

# --- scband reference (transcript-rebuilt; emitter-appended) ---
"""Pipeline reference for scband-permutation-random-12738873000451 (READ-ONLY COPY).

The authoritative reference and input builder live on the scoring server;
editing this copy changes nothing except your own understanding.
"""

import jax, jax.numpy as jnp
import numpy as np


def setup_inputs(seed: int = 0) -> dict:
    key = jax.random.key(seed)
    x = jax.random.normal(key, (16, 2048, 1024), dtype=jnp.float32)
    return {"x": x}


def reference(x):
    # PermutationRandom.forward with mask=None, perm=None, dim=1, inverse=False.
    # Torch draws a single randperm(L) and repeats it across the batch; we do the
    # same deterministically with a fixed JAX key.
    B, L = x.shape[0], x.shape[1]
    perm_key = jax.random.key(42)
    perm1d = jax.random.permutation(perm_key, L)
    perm = jnp.tile(perm1d[None, :], (B, 1))  # int32/int64 [B, L]
    batch_idx = jnp.arange(B)[:, None]  # [B, 1] broadcasts against perm [B, L]
    x_perm = x[batch_idx, perm]  # gather along dim=1, equivalent to x[batch_idx, perm] in torch
    return (x_perm, perm)

if __name__ == "__main__":
    import jax
    _d = setup_inputs()
    print(jax.jit(kernel)(*tuple(_d.values())))

</pallas_src>

<mosaic_0001>
#map = affine_map<(d0, d1) -> (0, 0)>
#map1 = affine_map<(d0, d1) -> (0)>
module attributes {stable_mosaic.version = 14 : i64} {
  func.func @gather(%arg0: i32, %arg1: i32, %arg2: memref<32768x1024xf32, #tpu.memory_space<hbm>>, %arg3: memref<32768xi32, #tpu.memory_space<hbm>>, %arg4: memref<32768x1024xf32, #tpu.memory_space<hbm>>, %arg5: memref<1024xi32, #tpu.memory_space<vmem>>, %arg6: memref<2x32x1024xf32, #tpu.memory_space<vmem>>, %arg7: memref<!tpu.dma_semaphore, #tpu.memory_space<semaphore_mem>>, %arg8: memref<!tpu.dma_semaphore, #tpu.memory_space<semaphore_mem>>, %arg9: memref<!tpu.dma_semaphore, #tpu.memory_space<semaphore_mem>>, %arg10: memref<!tpu.dma_semaphore, #tpu.memory_space<semaphore_mem>>) attributes {dimension_semantics = [#tpu.dimension_semantics<core_parallel>, #tpu.dimension_semantics<subcore_parallel>], iteration_bounds = array<i64: 2, 16>, scalar_prefetch = 0 : i64, scratch_operands = 6 : i64, tpu.core_type = #tpu.core_type<sc_vector_subcore>, window_params = [{transform_indices = #map}, {transform_indices = #map1}, {transform_indices = #map}]} {
    %mul3A = arith.constant 2 : i32
    %mul3A_0 = arith.muli %arg1, %mul3A : i32
    %add3A = arith.addi %mul3A_0, %arg0 : i32
    %mul3A_1 = arith.constant 1024 : i32
    %mul3A_2 = arith.muli %add3A, %mul3A_1 : i32
    "tpu.region"() ({
      %run_scoped3A = tpu.sem_alloc : memref<!tpu.dma_semaphore, #tpu.memory_space<semaphore_mem>>
      %dma_start3A_56 = tpu.memref_slice %arg3[%mul3A_2] : memref<32768xi32, #tpu.memory_space<hbm>> -> memref<1024xi32, #tpu.memory_space<hbm>>
      %dma_start3A_57 = tpu.memref_slice %arg3[%mul3A_2] : memref<32768xi32, #tpu.memory_space<hbm>> -> memref<1024xi32, #tpu.memory_space<hbm>>
      tpu.enqueue_dma source(%dma_start3A_57 : memref<1024xi32, #tpu.memory_space<hbm>>) target(%arg5 : memref<1024xi32, #tpu.memory_space<vmem>>) target_semaphore(%run_scoped3A : memref<!tpu.dma_semaphore, #tpu.memory_space<semaphore_mem>>)
      %dma_wait3A_58 = tpu.memref_slice %arg3[%mul3A_2] : memref<32768xi32, #tpu.memory_space<hbm>> -> memref<1024xi32, #tpu.memory_space<hbm>>
      %dma_wait3A_59 = tpu.memref_slice %arg3[%mul3A_2] : memref<32768xi32, #tpu.memory_space<hbm>> -> memref<1024xi32, #tpu.memory_space<hbm>>
      tpu.wait_dma2 semaphore(%run_scoped3A : memref<!tpu.dma_semaphore, #tpu.memory_space<semaphore_mem>>) src(%dma_wait3A_59 : memref<1024xi32, #tpu.memory_space<hbm>>) dst(%arg5 : memref<1024xi32, #tpu.memory_space<vmem>>)
      tpu.yield
    }) : () -> ()
    %dma_start3A = arith.constant 0 : i32
    %dma_start3A_3 = arith.constant 0 : i32
    %dma_start3A_4 = arith.constant 0 : i32
    %dma_start3A_5 = tpu.memref_slice %arg6[%dma_start3A, %dma_start3A_3, %dma_start3A_4] : memref<2x32x1024xf32, #tpu.memory_space<vmem>> -> memref<1x32x1024xf32, #tpu.memory_space<vmem>>
    %dma_start3A_6 = tpu.memref_squeeze %dma_start3A_5 : memref<1x32x1024xf32, #tpu.memory_space<vmem>> -> memref<32x1024xf32, #tpu.memory_space<vmem>>
    %dma_start3A_7 = arith.constant 0 : i32
    %dma_start3A_8 = tpu.memref_slice %arg5[%dma_start3A_7] : memref<1024xi32, #tpu.memory_space<vmem>> -> memref<32xi32, #tpu.memory_space<vmem>>
    %dma_start3A_9 = arith.constant 0 : i32
    %dma_start3A_10 = arith.constant 0 : i32
    %dma_start3A_11 = tpu.memref_slice %arg2[%dma_start3A_9, %dma_start3A_10] : memref<32768x1024xf32, #tpu.memory_space<hbm>> -> memref<32768x1024xf32, #tpu.memory_space<hbm>>
    tpu.enqueue_indirect_dma source(%dma_start3A_11 : memref<32768x1024xf32, #tpu.memory_space<hbm>>) target(%dma_start3A_6 : memref<32x1024xf32, #tpu.memory_space<vmem>>) offsets(%dma_start3A_8 : memref<32xi32, #tpu.memory_space<vmem>>) semaphore(%arg7 : memref<!tpu.dma_semaphore, #tpu.memory_space<semaphore_mem>>)
    %dma_start3A_12 = arith.constant 1 : i32
    %dma_start3A_13 = arith.constant 0 : i32
    %dma_start3A_14 = arith.constant 0 : i32
    %dma_start3A_15 = tpu.memref_slice %arg6[%dma_start3A_12, %dma_start3A_13, %dma_start3A_14] : memref<2x32x1024xf32, #tpu.memory_space<vmem>> -> memref<1x32x1024xf32, #tpu.memory_space<vmem>>
    %dma_start3A_16 = tpu.memref_squeeze %dma_start3A_15 : memref<1x32x1024xf32, #tpu.memory_space<vmem>> -> memref<32x1024xf32, #tpu.memory_space<vmem>>
    %dma_start3A_17 = arith.constant 32 : i32
    %dma_start3A_18 = tpu.memref_slice %arg5[%dma_start3A_17] : memref<1024xi32, #tpu.memory_space<vmem>> -> memref<32xi32, #tpu.memory_space<vmem>>
    %dma_start3A_19 = arith.constant 0 : i32
    %dma_start3A_20 = arith.constant 0 : i32
    %dma_start3A_21 = tpu.memref_slice %arg2[%dma_start3A_19, %dma_start3A_20] : memref<32768x1024xf32, #tpu.memory_space<hbm>> -> memref<32768x1024xf32, #tpu.memory_space<hbm>>
    tpu.enqueue_indirect_dma source(%dma_start3A_21 : memref<32768x1024xf32, #tpu.memory_space<hbm>>) target(%dma_start3A_16 : memref<32x1024xf32, #tpu.memory_space<vmem>>) offsets(%dma_start3A_18 : memref<32xi32, #tpu.memory_space<vmem>>) semaphore(%arg8 : memref<!tpu.dma_semaphore, #tpu.memory_space<semaphore_mem>>)
    %scan3A = arith.constant 0 : i32
    %scan3A_22 = arith.constant 0 : i32
    %scan3A_23 = arith.constant 16 : i32
    %scan3A_24 = arith.addi %scan3A_22, %scan3A_23 : i32
    %scan3A_25 = arith.constant 1 : i32
    scf.for %scan3A_56 = %scan3A_22 to %scan3A_24 step %scan3A_25  : i32 {
      %mul3A_57 = arith.constant 2 : i32
      %mul3A_58 = arith.muli %mul3A_57, %scan3A_56 : i32
      %add3A_59 = arith.constant 0 : i32
      %add3A_60 = arith.addi %mul3A_58, %add3A_59 : i32
      %mul3A_61 = arith.constant 32 : i32
      %mul3A_62 = arith.muli %add3A_60, %mul3A_61 : i32
      %dma_wait3A_63 = arith.constant 0 : i32
      %dma_wait3A_64 = arith.constant 0 : i32
      %dma_wait3A_65 = arith.constant 0 : i32
      %dma_wait3A_66 = tpu.memref_slice %arg6[%dma_wait3A_63, %dma_wait3A_64, %dma_wait3A_65] : memref<2x32x1024xf32, #tpu.memory_space<vmem>> -> memref<1x32x1024xf32, #tpu.memory_space<vmem>>
      %dma_wait3A_67 = tpu.memref_squeeze %dma_wait3A_66 : memref<1x32x1024xf32, #tpu.memory_space<vmem>> -> memref<32x1024xf32, #tpu.memory_space<vmem>>
      %dma_wait3A_68 = tpu.memref_slice %arg5[%mul3A_62] : memref<1024xi32, #tpu.memory_space<vmem>> -> memref<32xi32, #tpu.memory_space<vmem>>
      %dma_wait3A_69 = arith.constant 0 : i32
      %dma_wait3A_70 = arith.constant 0 : i32
      %dma_wait3A_71 = tpu.memref_slice %arg2[%dma_wait3A_69, %dma_wait3A_70] : memref<32768x1024xf32, #tpu.memory_space<hbm>> -> memref<32768x1024xf32, #tpu.memory_space<hbm>>
      tpu.wait_indirect_dma semaphore(%arg7 : memref<!tpu.dma_semaphore, #tpu.memory_space<semaphore_mem>>) src(%dma_wait3A_71 : memref<32768x1024xf32, #tpu.memory_space<hbm>>) dst(%dma_wait3A_67 : memref<32x1024xf32, #tpu.memory_space<vmem>>)
      %mul3A_72 = arith.constant 32 : i32
      %mul3A_73 = arith.muli %add3A_60, %mul3A_72 : i32
      %add3A_74 = arith.addi %mul3A_2, %mul3A_73 : i32
      %dma_start3A_75 = arith.constant 0 : i32
      %dma_start3A_76 = arith.constant 0 : i32
      %dma_start3A_77 = arith.constant 0 : i32
      %dma_start3A_78 = tpu.memref_slice %arg6[%dma_start3A_75, %dma_start3A_76, %dma_start3A_77] : memref<2x32x1024xf32, #tpu.memory_space<vmem>> -> memref<1x32x1024xf32, #tpu.memory_space<vmem>>
      %dma_start3A_79 = tpu.memref_squeeze %dma_start3A_78 : memref<1x32x1024xf32, #tpu.memory_space<vmem>> -> memref<32x1024xf32, #tpu.memory_space<vmem>>
      %dma_start3A_80 = arith.constant 0 : i32
      %dma_start3A_81 = tpu.memref_slice %arg4[%add3A_74, %dma_start3A_80] : memref<32768x1024xf32, #tpu.memory_space<hbm>> -> memref<32x1024xf32, #tpu.memory_space<hbm>>
      %dma_start3A_82 = arith.constant 0 : i32
      %dma_start3A_83 = tpu.memref_slice %arg4[%add3A_74, %dma_start3A_82] : memref<32768x1024xf32, #tpu.memory_space<hbm>> -> memref<32x1024xf32, #tpu.memory_space<hbm>>
      %dma_start3A_84 = arith.constant 0 : i32
      %dma_start3A_85 = arith.constant 0 : i32
      %dma_start3A_86 = tpu.memref_slice %arg6[%dma_start3A_75, %dma_start3A_84, %dma_start3A_85] : memref<2x32x1024xf32, #tpu.memory_space<vmem>> -> memref<1x32x1024xf32, #tpu.memory_space<vmem>>
      %dma_start3A_87 = tpu.memref_squeeze %dma_start3A_86 : memref<1x32x1024xf32, #tpu.memory_space<vmem>> -> memref<32x1024xf32, #tpu.memory_space<vmem>>
      tpu.enqueue_dma source(%dma_start3A_87 : memref<32x1024xf32, #tpu.memory_space<vmem>>) target(%dma_start3A_83 : memref<32x1024xf32, #tpu.memory_space<hbm>>) target_semaphore(%arg9 : memref<!tpu.dma_semaphore, #tpu.memory_space<semaphore_mem>>)
      %ge3A = arith.constant 1 : i32
      %ge3A_88 = arith.cmpi sge, %add3A_60, %ge3A : i32
      %lt3A = arith.constant 31 : i32
      %lt3A_89 = arith.cmpi slt, %add3A_60, %lt3A : i32
      %and3A = arith.andi %ge3A_88, %lt3A_89 : i1
      %convert_element_type3A = arith.extui %and3A : i1 to i32
      %cond3A = arith.constant 0 : i32
      %cond3A_90 = arith.cmpi ne, %convert_element_type3A, %cond3A : i32
      scf.if %cond3A_90 {
        %sub3A = arith.constant 1 : i32
        %sub3A_130 = arith.subi %add3A_60, %sub3A : i32
        %mul3A_131 = arith.constant 32 : i32
        %mul3A_132 = arith.muli %sub3A_130, %mul3A_131 : i32
        %add3A_133 = arith.addi %mul3A_2, %mul3A_132 : i32
        %dma_wait3A_134 = arith.constant 1 : i32
        %dma_wait3A_135 = arith.constant 0 : i32
        %dma_wait3A_136 = arith.constant 0 : i32
        %dma_wait3A_137 = tpu.memref_slice %arg6[%dma_wait3A_134, %dma_wait3A_135, %dma_wait3A_136] : memref<2x32x1024xf32, #tpu.memory_space<vmem>> -> memref<1x32x1024xf32, #tpu.memory_space<vmem>>
        %dma_wait3A_138 = tpu.memref_squeeze %dma_wait3A_137 : memref<1x32x1024xf32, #tpu.memory_space<vmem>> -> memref<32x1024xf32, #tpu.memory_space<vmem>>
        %dma_wait3A_139 = arith.constant 0 : i32
        %dma_wait3A_140 = tpu.memref_slice %arg4[%add3A_133, %dma_wait3A_139] : memref<32768x1024xf32, #tpu.memory_space<hbm>> -> memref<32x1024xf32, #tpu.memory_space<hbm>>
        %dma_wait3A_141 = arith.constant 0 : i32
        %dma_wait3A_142 = tpu.memref_slice %arg4[%add3A_133, %dma_wait3A_141] : memref<32768x1024xf32, #tpu.memory_space<hbm>> -> memref<32x1024xf32, #tpu.memory_space<hbm>>
        %dma_wait3A_143 = arith.constant 0 : i32
        %dma_wait3A_144 = arith.constant 0 : i32
        %dma_wait3A_145 = tpu.memref_slice %arg6[%dma_wait3A_134, %dma_wait3A_143, %dma_wait3A_144] : memref<2x32x1024xf32, #tpu.memory_space<vmem>> -> memref<1x32x1024xf32, #tpu.memory_space<vmem>>
        %dma_wait3A_146 = tpu.memref_squeeze %dma_wait3A_145 : memref<1x32x1024xf32, #tpu.memory_space<vmem>> -> memref<32x1024xf32, #tpu.memory_space<vmem>>
        tpu.wait_dma2 semaphore(%arg10 : memref<!tpu.dma_semaphore, #tpu.memory_space<semaphore_mem>>) src(%dma_wait3A_146 : memref<32x1024xf32, #tpu.memory_space<vmem>>) dst(%dma_wait3A_142 : memref<32x1024xf32, #tpu.memory_space<hbm>>)
        %add3A_147 = arith.constant 1 : i32
        %add3A_148 = arith.addi %add3A_60, %add3A_147 : i32
        %mul3A_149 = arith.constant 32 : i32
        %mul3A_150 = arith.muli %add3A_148, %mul3A_149 : i32
        %dma_start3A_151 = arith.constant 1 : i32
        %dma_start3A_152 = arith.constant 0 : i32
        %dma_start3A_153 = arith.constant 0 : i32
        %dma_start3A_154 = tpu.memref_slice %arg6[%dma_start3A_151, %dma_start3A_152, %dma_start3A_153] : memref<2x32x1024xf32, #tpu.memory_space<vmem>> -> memref<1x32x1024xf32, #tpu.memory_space<vmem>>
        %dma_start3A_155 = tpu.memref_squeeze %dma_start3A_154 : memref<1x32x1024xf32, #tpu.memory_space<vmem>> -> memref<32x1024xf32, #tpu.memory_space<vmem>>
        %dma_start3A_156 = tpu.memref_slice %arg5[%mul3A_150] : memref<1024xi32, #tpu.memory_space<vmem>> -> memref<32xi32, #tpu.memory_space<vmem>>
        %dma_start3A_157 = arith.constant 0 : i32
        %dma_start3A_158 = arith.constant 0 : i32
        %dma_start3A_159 = tpu.memref_slice %arg2[%dma_start3A_157, %dma_start3A_158] : memref<32768x1024xf32, #tpu.memory_space<hbm>> -> memref<32768x1024xf32, #tpu.memory_space<hbm>>
        tpu.enqueue_indirect_dma source(%dma_start3A_159 : memref<32768x1024xf32, #tpu.memory_space<hbm>>) target(%dma_start3A_155 : memref<32x1024xf32, #tpu.memory_space<vmem>>) offsets(%dma_start3A_156 : memref<32xi32, #tpu.memory_space<vmem>>) semaphore(%arg8 : memref<!tpu.dma_semaphore, #tpu.memory_space<semaphore_mem>>)
      } else {
      }
      %mul3A_91 = arith.constant 2 : i32
      %mul3A_92 = arith.muli %mul3A_91, %scan3A_56 : i32
      %add3A_93 = arith.constant 1 : i32
      %add3A_94 = arith.addi %mul3A_92, %add3A_93 : i32
      %mul3A_95 = arith.constant 32 : i32
      %mul3A_96 = arith.muli %add3A_94, %mul3A_95 : i32
      %dma_wait3A_97 = arith.constant 1 : i32
      %dma_wait3A_98 = arith.constant 0 : i32
      %dma_wait3A_99 = arith.constant 0 : i32
      %dma_wait3A_100 = tpu.memref_slice %arg6[%dma_wait3A_97, %dma_wait3A_98, %dma_wait3A_99] : memref<2x32x1024xf32, #tpu.memory_space<vmem>> -> memref<1x32x1024xf32, #tpu.memory_space<vmem>>
      %dma_wait3A_101 = tpu.memref_squeeze %dma_wait3A_100 : memref<1x32x1024xf32, #tpu.memory_space<vmem>> -> memref<32x1024xf32, #tpu.memory_space<vmem>>
      %dma_wait3A_102 = tpu.memref_slice %arg5[%mul3A_96] : memref<1024xi32, #tpu.memory_space<vmem>> -> memref<32xi32, #tpu.memory_space<vmem>>
      %dma_wait3A_103 = arith.constant 0 : i32
      %dma_wait3A_104 = arith.constant 0 : i32
      %dma_wait3A_105 = tpu.memref_slice %arg2[%dma_wait3A_103, %dma_wait3A_104] : memref<32768x1024xf32, #tpu.memory_space<hbm>> -> memref<32768x1024xf32, #tpu.memory_space<hbm>>
      tpu.wait_indirect_dma semaphore(%arg8 : memref<!tpu.dma_semaphore, #tpu.memory_space<semaphore_mem>>) src(%dma_wait3A_105 : memref<32768x1024xf32, #tpu.memory_space<hbm>>) dst(%dma_wait3A_101 : memref<32x1024xf32, #tpu.memory_space<vmem>>)
      %mul3A_106 = arith.constant 32 : i32
      %mul3A_107 = arith.muli %add3A_94, %mul3A_106 : i32
      %add3A_108 = arith.addi %mul3A_2, %mul3A_107 : i32
      %dma_start3A_109 = arith.constant 1 : i32
      %dma_start3A_110 = arith.constant 0 : i32
      %dma_start3A_111 = arith.constant 0 : i32
      %dma_start3A_112 = tpu.memref_slice %arg6[%dma_start3A_109, %dma_start3A_110, %dma_start3A_111] : memref<2x32x1024xf32, #tpu.memory_space<vmem>> -> memref<1x32x1024xf32, #tpu.memory_space<vmem>>
      %dma_start3A_113 = tpu.memref_squeeze %dma_start3A_112 : memref<1x32x1024xf32, #tpu.memory_space<vmem>> -> memref<32x1024xf32, #tpu.memory_space<vmem>>
      %dma_start3A_114 = arith.constant 0 : i32
      %dma_start3A_115 = tpu.memref_slice %arg4[%add3A_108, %dma_start3A_114] : memref<32768x1024xf32, #tpu.memory_space<hbm>> -> memref<32x1024xf32, #tpu.memory_space<hbm>>
      %dma_start3A_116 = arith.constant 0 : i32
      %dma_start3A_117 = tpu.memref_slice %arg4[%add3A_108, %dma_start3A_116] : memref<32768x1024xf32, #tpu.memory_space<hbm>> -> memref<32x1024xf32, #tpu.memory_space<hbm>>
      %dma_start3A_118 = arith.constant 0 : i32
      %dma_start3A_119 = arith.constant 0 : i32
      %dma_start3A_120 = tpu.memref_slice %arg6[%dma_start3A_109, %dma_start3A_118, %dma_start3A_119] : memref<2x32x1024xf32, #tpu.memory_space<vmem>> -> memref<1x32x1024xf32, #tpu.memory_space<vmem>>
      %dma_start3A_121 = tpu.memref_squeeze %dma_start3A_120 : memref<1x32x1024xf32, #tpu.memory_space<vmem>> -> memref<32x1024xf32, #tpu.memory_space<vmem>>
      tpu.enqueue_dma source(%dma_start3A_121 : memref<32x1024xf32, #tpu.memory_space<vmem>>) target(%dma_start3A_117 : memref<32x1024xf32, #tpu.memory_space<hbm>>) target_semaphore(%arg10 : memref<!tpu.dma_semaphore, #tpu.memory_space<semaphore_mem>>)
      %ge3A_122 = arith.constant 1 : i32
      %ge3A_123 = arith.cmpi sge, %add3A_94, %ge3A_122 : i32
      %lt3A_124 = arith.constant 31 : i32
      %lt3A_125 = arith.cmpi slt, %add3A_94, %lt3A_124 : i32
      %and3A_126 = arith.andi %ge3A_123, %lt3A_125 : i1
      %convert_element_type3A_127 = arith.extui %and3A_126 : i1 to i32
      %cond3A_128 = arith.constant 0 : i32
      %cond3A_129 = arith.cmpi ne, %convert_element_type3A_127, %cond3A_128 : i32
      scf.if %cond3A_129 {
        %sub3A = arith.constant 1 : i32
        %sub3A_130 = arith.subi %add3A_94, %sub3A : i32
        %mul3A_131 = arith.constant 32 : i32
        %mul3A_132 = arith.muli %sub3A_130, %mul3A_131 : i32
        %add3A_133 = arith.addi %mul3A_2, %mul3A_132 : i32
        %dma_wait3A_134 = arith.constant 0 : i32
        %dma_wait3A_135 = arith.constant 0 : i32
        %dma_wait3A_136 = arith.constant 0 : i32
        %dma_wait3A_137 = tpu.memref_slice %arg6[%dma_wait3A_134, %dma_wait3A_135, %dma_wait3A_136] : memref<2x32x1024xf32, #tpu.memory_space<vmem>> -> memref<1x32x1024xf32, #tpu.memory_space<vmem>>
        %dma_wait3A_138 = tpu.memref_squeeze %dma_wait3A_137 : memref<1x32x1024xf32, #tpu.memory_space<vmem>> -> memref<32x1024xf32, #tpu.memory_space<vmem>>
        %dma_wait3A_139 = arith.constant 0 : i32
        %dma_wait3A_140 = tpu.memref_slice %arg4[%add3A_133, %dma_wait3A_139] : memref<32768x1024xf32, #tpu.memory_space<hbm>> -> memref<32x1024xf32, #tpu.memory_space<hbm>>
        %dma_wait3A_141 = arith.constant 0 : i32
        %dma_wait3A_142 = tpu.memref_slice %arg4[%add3A_133, %dma_wait3A_141] : memref<32768x1024xf32, #tpu.memory_space<hbm>> -> memref<32x1024xf32, #tpu.memory_space<hbm>>
        %dma_wait3A_143 = arith.constant 0 : i32
        %dma_wait3A_144 = arith.constant 0 : i32
        %dma_wait3A_145 = tpu.memref_slice %arg6[%dma_wait3A_134, %dma_wait3A_143, %dma_wait3A_144] : memref<2x32x1024xf32, #tpu.memory_space<vmem>> -> memref<1x32x1024xf32, #tpu.memory_space<vmem>>
        %dma_wait3A_146 = tpu.memref_squeeze %dma_wait3A_145 : memref<1x32x1024xf32, #tpu.memory_space<vmem>> -> memref<32x1024xf32, #tpu.memory_space<vmem>>
        tpu.wait_dma2 semaphore(%arg9 : memref<!tpu.dma_semaphore, #tpu.memory_space<semaphore_mem>>) src(%dma_wait3A_146 : memref<32x1024xf32, #tpu.memory_space<vmem>>) dst(%dma_wait3A_142 : memref<32x1024xf32, #tpu.memory_space<hbm>>)
        %add3A_147 = arith.constant 1 : i32
        %add3A_148 = arith.addi %add3A_94, %add3A_147 : i32
        %mul3A_149 = arith.constant 32 : i32
        %mul3A_150 = arith.muli %add3A_148, %mul3A_149 : i32
        %dma_start3A_151 = arith.constant 0 : i32
        %dma_start3A_152 = arith.constant 0 : i32
        %dma_start3A_153 = arith.constant 0 : i32
        %dma_start3A_154 = tpu.memref_slice %arg6[%dma_start3A_151, %dma_start3A_152, %dma_start3A_153] : memref<2x32x1024xf32, #tpu.memory_space<vmem>> -> memref<1x32x1024xf32, #tpu.memory_space<vmem>>
        %dma_start3A_155 = tpu.memref_squeeze %dma_start3A_154 : memref<1x32x1024xf32, #tpu.memory_space<vmem>> -> memref<32x1024xf32, #tpu.memory_space<vmem>>
        %dma_start3A_156 = tpu.memref_slice %arg5[%mul3A_150] : memref<1024xi32, #tpu.memory_space<vmem>> -> memref<32xi32, #tpu.memory_space<vmem>>
        %dma_start3A_157 = arith.constant 0 : i32
        %dma_start3A_158 = arith.constant 0 : i32
        %dma_start3A_159 = tpu.memref_slice %arg2[%dma_start3A_157, %dma_start3A_158] : memref<32768x1024xf32, #tpu.memory_space<hbm>> -> memref<32768x1024xf32, #tpu.memory_space<hbm>>
        tpu.enqueue_indirect_dma source(%dma_start3A_159 : memref<32768x1024xf32, #tpu.memory_space<hbm>>) target(%dma_start3A_155 : memref<32x1024xf32, #tpu.memory_space<vmem>>) offsets(%dma_start3A_156 : memref<32xi32, #tpu.memory_space<vmem>>) semaphore(%arg7 : memref<!tpu.dma_semaphore, #tpu.memory_space<semaphore_mem>>)
      } else {
      }
    }
    %scan3A_26 = arith.constant 16 : i32
    %add3A_27 = arith.constant 960 : i32
    %add3A_28 = arith.addi %mul3A_2, %add3A_27 : i32
    %dma_wait3A = arith.constant 0 : i32
    %dma_wait3A_29 = arith.constant 0 : i32
    %dma_wait3A_30 = arith.constant 0 : i32
    %dma_wait3A_31 = tpu.memref_slice %arg6[%dma_wait3A, %dma_wait3A_29, %dma_wait3A_30] : memref<2x32x1024xf32, #tpu.memory_space<vmem>> -> memref<1x32x1024xf32, #tpu.memory_space<vmem>>
    %dma_wait3A_32 = tpu.memref_squeeze %dma_wait3A_31 : memref<1x32x1024xf32, #tpu.memory_space<vmem>> -> memref<32x1024xf32, #tpu.memory_space<vmem>>
    %dma_wait3A_33 = arith.constant 0 : i32
    %dma_wait3A_34 = tpu.memref_slice %arg4[%add3A_28, %dma_wait3A_33] : memref<32768x1024xf32, #tpu.memory_space<hbm>> -> memref<32x1024xf32, #tpu.memory_space<hbm>>
    %dma_wait3A_35 = arith.constant 0 : i32
    %dma_wait3A_36 = tpu.memref_slice %arg4[%add3A_28, %dma_wait3A_35] : memref<32768x1024xf32, #tpu.memory_space<hbm>> -> memref<32x1024xf32, #tpu.memory_space<hbm>>
    %dma_wait3A_37 = arith.constant 0 : i32
    %dma_wait3A_38 = arith.constant 0 : i32
    %dma_wait3A_39 = tpu.memref_slice %arg6[%dma_wait3A, %dma_wait3A_37, %dma_wait3A_38] : memref<2x32x1024xf32, #tpu.memory_space<vmem>> -> memref<1x32x1024xf32, #tpu.memory_space<vmem>>
    %dma_wait3A_40 = tpu.memref_squeeze %dma_wait3A_39 : memref<1x32x1024xf32, #tpu.memory_space<vmem>> -> memref<32x1024xf32, #tpu.memory_space<vmem>>
    tpu.wait_dma2 semaphore(%arg9 : memref<!tpu.dma_semaphore, #tpu.memory_space<semaphore_mem>>) src(%dma_wait3A_40 : memref<32x1024xf32, #tpu.memory_space<vmem>>) dst(%dma_wait3A_36 : memref<32x1024xf32, #tpu.memory_space<hbm>>)
    %add3A_41 = arith.constant 992 : i32
    %add3A_42 = arith.addi %mul3A_2, %add3A_41 : i32
    %dma_wait3A_43 = arith.constant 1 : i32
    %dma_wait3A_44 = arith.constant 0 : i32
    %dma_wait3A_45 = arith.constant 0 : i32
    %dma_wait3A_46 = tpu.memref_slice %arg6[%dma_wait3A_43, %dma_wait3A_44, %dma_wait3A_45] : memref<2x32x1024xf32, #tpu.memory_space<vmem>> -> memref<1x32x1024xf32, #tpu.memory_space<vmem>>
    %dma_wait3A_47 = tpu.memref_squeeze %dma_wait3A_46 : memref<1x32x1024xf32, #tpu.memory_space<vmem>> -> memref<32x1024xf32, #tpu.memory_space<vmem>>
    %dma_wait3A_48 = arith.constant 0 : i32
    %dma_wait3A_49 = tpu.memref_slice %arg4[%add3A_42, %dma_wait3A_48] : memref<32768x1024xf32, #tpu.memory_space<hbm>> -> memref<32x1024xf32, #tpu.memory_space<hbm>>
    %dma_wait3A_50 = arith.constant 0 : i32
    %dma_wait3A_51 = tpu.memref_slice %arg4[%add3A_42, %dma_wait3A_50] : memref<32768x1024xf32, #tpu.memory_space<hbm>> -> memref<32x1024xf32, #tpu.memory_space<hbm>>
    %dma_wait3A_52 = arith.constant 0 : i32
    %dma_wait3A_53 = arith.constant 0 : i32
    %dma_wait3A_54 = tpu.memref_slice %arg6[%dma_wait3A_43, %dma_wait3A_52, %dma_wait3A_53] : memref<2x32x1024xf32, #tpu.memory_space<vmem>> -> memref<1x32x1024xf32, #tpu.memory_space<vmem>>
    %dma_wait3A_55 = tpu.memref_squeeze %dma_wait3A_54 : memref<1x32x1024xf32, #tpu.memory_space<vmem>> -> memref<32x1024xf32, #tpu.memory_space<vmem>>
    tpu.wait_dma2 semaphore(%arg10 : memref<!tpu.dma_semaphore, #tpu.memory_space<semaphore_mem>>) src(%dma_wait3A_55 : memref<32x1024xf32, #tpu.memory_space<vmem>>) dst(%dma_wait3A_51 : memref<32x1024xf32, #tpu.memory_space<hbm>>)
    return
  }
}

</mosaic_0001>

<sc_bundles>
// kernel: kernel.3.cloned.1.call-start
scs
__scs_entry_jumppad:
0x0: {  	(pc) =	sbr.rel $0x88, $3  }
0x1: {  	(tag) =	ssettag $0x0;
	lr =	simm.s32 $0x1  }
0x2: {  	[smem:$0x3FA0] =	sst lr;
	_ =	strace $0xD0000000  }
0x3: {  	_ = 	snop  }
0x4: {  	_ = 	snop  }
0x5: {  	_ = 	snop  }
0x6: {  	_ = 	snop  }
0x7: {  	_ = 	snop  }
__scs_overlays_trampoline_lowered:
0x8: {  	[smem:$0x3FAF] =	sst s0  }
0x9: {  	[smem:$0x3FB0] =	sst s1  }
0xa: {  	[smem:$0x3FB1] =	sst s2  }
0xb: {  	[smem:$0x3FB2] =	sst s3  }
0xc: {  	[smem:$0x3FB3] =	sst s4  }
0xd: {  	[smem:$0x3FB4] =	sst s5  }
0xe: {  	[smem:$0x3FB5] =	sst s6  }
0xf: {  	[smem:$0x3FB6] =	sst s7  }
0x10: {  	[smem:$0x3FB7] =	sst s8  }
0x11: {  	[smem:$0x3FB8] =	sst s9;
	s0 =	simm.s32 @!p0 $0x0  }
0x12: {  	s1 =	sld [smem:$0x3F9E];
	s0 =	simm.s32 @p0 $0x1  }
0x13: {  	[smem:$0x3FB9] =	sst s0;
	s0 =	simm.s32 @!p1 $0x0  }
0x14: {  	s2 =	sld [smem:$0x3F9D];
	s0 =	simm.s32 @p1 $0x1  }
0x15: {  	[smem:$0x3FBA] =	sst s0;
	s0 =	simm.s32 @!p2 $0x0  }
0x16: {  	s3 =	sld [smem:$0x3FDB];
	s0 =	simm.s32 @p2 $0x1  }
0x17: {  	s4 =	simm.s32 $0x1BF5;
	[smem:$0x3FBC] =	sst s0  }
0x18: {  	s0 =	sld [smem:$0x3F9F];
	_ =	swait.ge [sflag:s4], $0x0  }
0x19: {  	s7 =	sld [smem:$0x3FA0]  }
0x1a: {  	s8 =	sadd.s32 $0xFFFFE003, lr  }
0x1b: {  	s9 =	sadd.s32 $0xFFFFFEF7, lr;
	s5 =	simm.s32 $0xFFFFFFFF;
	p2 =	slt.u32 s8, $0xFFFFF086  }
0x1c: {  	p1 =	slt.u32 s9, $0xF7A;
	s5 =	simm.s32 @!p2 $0x0  }
0x1d: {  	s5 =	simm.s32 @p1 $0x1;
	p0 =	seq.s32 s7, s2  }
0x1e: {  	s7 =	smul.u32 @!p0 $0xF7A, s2;
	p2 =	seq.s32 @!p0 s5, $0x0  }
0x1f: {  	s9 =	smul.u32 $0xF7A, s1;
	s8 =	simm.s32 @!p0 $0x1BF5;
	p2 =	por !p2, p0  }
0x20: {  	[sflag:s8] =	ssyncset.s32 @!p0 $0xFFFFF086;
	s6 =	sadd.s32 @!p0 s3, s7;
	s7 =	simm.s32 @!p0 $0x108  }
0x21: {  	s3 =	sadd.s32 s3, s9;
	s6 =	sadd.s32 @!p0 $0x88, s6;
	s7 =	simm.s32 @p2 $0x1082  }
0x22: {  	[simem:s7], [sflag:s8] =	dma.local @!p0 [hbm:s6], $0xF7A  }
0x23: {  	s9 =	sor.u32 $0xD0000000, s2;
	s6 =	simm.s32 $0x108;
	_ =	swait.ge @!p0 [sflag:s8], $0x0  }
0x24: {  	s3 =	sadd.s32 $0x88, s3;
	s6 =	simm.s32 @!p1 $0x1082;
	[sflag:s4] =	ssyncset.s32 $0xFFFFF086  }
0x25: {  	[simem:s6], [sflag:s4] =	dma.local [hbm:s3], $0xF7A  }
0x26: {  	[smem:$0x3FA0] =	sst s1;
	(tag) =	ssettag s2;
	_ =	strace s9  }
0x27: {  	s1 =	sld [smem:$0x3FB0]  }
0x28: {  	s2 =	sld [smem:$0x3FB1]  }
0x29: {  	s4 =	sld [smem:$0x3FB3]  }
0x2a: {  	p0 =	seq.s32 s5, $0x0;
	s5 =	sld [smem:$0x3FB4]  }
0x2b: {  	s6 =	sld [smem:$0x3FB5]  }
0x2c: {  	s7 =	sld [smem:$0x3FB6]  }
0x2d: {  	s3 =	simm.s32 $0x108;
	s8 =	sld [smem:$0x3FB7]  }
0x2e: {  	s3 =	simm.s32 @!p0 $0x1082;
	s9 =	sld [smem:$0x3FB8]  }
0x2f: {  	lr =	sadd.s32 s0, s3;
	s0 =	sld [smem:$0x3FAF]  }
0x30: {  	s3 =	sld [smem:$0x3FB2]  }
0x31: {  	[smem:$0x3FBB] =	sst s10  }
0x32: {  	s10 =	sld [smem:$0x3FB9];
	_ =	sdelay $0x3  }
0x33: {  	p0 =	seq.s32 s10, $0x1;
	s10 =	sld [smem:$0x3FBB];
	_ =	sdelay $0x3  }
0x34: {  	[smem:$0x3FBB] =	sst s10  }
0x35: {  	s10 =	sld [smem:$0x3FBA];
	_ =	sdelay $0x3  }
0x36: {  	p1 =	seq.s32 s10, $0x1;
	s10 =	sld [smem:$0x3FBB];
	_ =	sdelay $0x3  }
0x37: {  	[smem:$0x3FBB] =	sst s10  }
0x38: {  	s10 =	sld [smem:$0x3FBC]  }
0x39: {  	_ = 	snop;
	(pc) =	sbr.ind lr, $3  }
0x3a: {  	_ = 	snop  }
0x3b: {  	_ = 	snop  }
0x3c: {  	p2 =	seq.s32 s10, $0x1;
	s10 =	sld [smem:$0x3FBB]  }
0x3d: {  	_ =	shalt  }
0x3e: {  	_ =	shalt  }
0x3f: {  	_ =	shalt  }
0x40: {  	_ =	shalt  }
0x41: {  	_ =	shalt  }
0x42: {  	_ =	shalt  }
0x43: {  	_ =	shalt  }
0x44: {  	_ =	shalt  }
0x45: {  	_ =	shalt  }
0x46: {  	_ =	shalt  }
0x47: {  	_ =	shalt  }
0x48: {  	_ =	shalt  }
0x49: {  	_ =	shalt  }
0x4a: {  	_ =	shalt  }
0x4b: {  	_ =	shalt  }
0x4c: {  	_ =	shalt  }
0x4d: {  	_ =	shalt  }
0x4e: {  	_ =	shalt  }
0x4f: {  	_ =	shalt  }
0x50: {  	_ =	shalt  }
0x51: {  	_ =	shalt  }
0x52: {  	_ =	shalt  }
0x53: {  	_ =	shalt  }
0x54: {  	_ =	shalt  }
0x55: {  	_ =	shalt  }
0x56: {  	_ =	shalt  }
0x57: {  	_ =	shalt  }
0x58: {  	_ =	shalt  }
0x59: {  	_ =	shalt  }
0x5a: {  	_ =	shalt  }
0x5b: {  	_ =	shalt  }
0x5c: {  	_ =	shalt  }
0x5d: {  	_ =	shalt  }
0x5e: {  	_ =	shalt  }
0x5f: {  	_ =	shalt  }
0x60: {  	_ =	shalt  }
0x61: {  	_ =	shalt  }
0x62: {  	_ =	shalt  }
0x63: {  	_ =	shalt  }
0x64: {  	_ =	shalt  }
0x65: {  	_ =	shalt  }
0x66: {  	_ =	shalt  }
0x67: {  	_ =	shalt  }
0x68: {  	_ =	shalt  }
0x69: {  	_ =	shalt  }
0x6a: {  	_ =	shalt  }
0x6b: {  	_ =	shalt  }
0x6c: {  	_ =	shalt  }
0x6d: {  	_ =	shalt  }
0x6e: {  	_ =	shalt  }
0x6f: {  	_ =	shalt  }
0x70: {  	_ =	shalt  }
0x71: {  	_ =	shalt  }
0x72: {  	_ =	shalt  }
0x73: {  	_ =	shalt  }
0x74: {  	_ =	shalt  }
0x75: {  	_ =	shalt  }
0x76: {  	_ =	shalt  }
0x77: {  	_ =	shalt  }
0x78: {  	_ =	shalt  }
0x79: {  	_ =	shalt  }
0x7a: {  	_ =	shalt  }
0x7b: {  	_ =	shalt  }
0x7c: {  	_ =	shalt  }
0x7d: {  	_ =	shalt  }
0x7e: {  	_ =	shalt  }
0x7f: {  	_ =	shalt  }
0x80: {  	_ =	shalt  }
0x81: {  	_ =	shalt  }
0x82: {  	_ =	shalt  }
0x83: {  	_ =	shalt  }
0x84: {  	_ =	shalt  }
0x85: {  	_ =	shalt  }
0x86: {  	_ =	shalt  }
0x87: {  	_ =	shalt  }
.Lfunc_end0:
.L_simem_size_0:
called_computation_lowered:
.L_overlay_start_0:
0x88: {  	s2 =	sld [smem:$0x3FD9]  }
0x89: {  	s3 =	sld [smem:$0x3FFE];
	_ =	sdelay $0x1  }
0x8a: {  	s1 =	srdreg.scid  }
0x8b: {  	s0 =	sand.u32 $0x1, s1  }
0x8c: {  	s15 =	sshll.u32 s0, $0xA;
	s2 =	sadd.s32 s3, s2  }
0x8d: {  	s2 =	sadd.s32 s2, s15  }
0x8e: {  	[smem:$0x3FC7] =	sst s2  }
0x8f: {  	_ = 	snop  }
0x90: {  	s2 =	sld [smem:$0x3FD0];
	_ =	sdelay $0x2  }
0x91: {  	s4 =	simm.s32 $0xA;
	s5 =	simm.s32 $0x10;
	s16 =	sld [smem:$0x3FC9]  }
0x92: {  	[smem:s5], [sflag:s4] =	dma.local [hbm:s2], $0x1  }
0x93: {  	_ =	swait.eq [sflag:s4], $0x1  }
0x94: {  	[sflag:s4] =	ssyncset.done $0x0  }
0x95: {  	s17 =	sld [smem:$0x10];
	[sflag:s4] =	ssyncadd.s32 $0xFFFFFFFF  }
0x96: {  	s18 =	sld [smem:$0x11];
	(tm) =	ssettm $0x1  }
0x97: {  	s19 =	sld [smem:$0x3FFB];
	_ =	sdelay $0x3  }
0x98: {  	_ =	strace s19  }
0x99: {  	s5 =	sld [smem:$0x3FFC];
	_ =	sdelay $0x3  }
0x9a: {  	_ =	strace s5  }
0x9b: {  	s5 =	sld [smem:$0x3FFD];
	_ =	sdelay $0x3  }
0x9c: {  	_ =	strace s5  }
0x9d: {  	_ =	strace $0x8FFFFFFF  }
0x9e: {  	s20 =	sld [smem:$0x3FDB];
	_ =	sdelay $0x1  }
0x9f: {  	s6 =	simm.s32 $_scs_section_size  }
0xa0: {  	s7 =	simm.s32 $_size__tile_overlayer_lowered;
	s8 =	simm.s32 $_tile_overlayer_lowered  }
0xa1: {  	s23 =	simm.s32 $0x1BFF;
	s22 =	sshll.u32 s8, $0x1;
	s5 =	sadd.s32 s6, s20  }
0xa2: {  	s9 =	simm.s32 $0x0;
	s21 =	sshll.u32 s7, $0x1;
	s7 =	sadd.s32 s22, s5  }
0xa3: {  	[timem:s9], [sflag:s23] =	dma.local [hbm:s7], s21  }
0xa4: {  	_ =	swait.ge [sflag:s23], s21  }
0xa5: {  	s6 =	ssub.s32 $0x0, s21;
	[sflag:s23] =	ssyncset.done $0x0  }
0xa6: {  	[sflag:s23] =	ssyncadd.s32 s6;
	_ =	sdelay $0x1  }
0xa7: {  	s24 =	simm.s32 $0x1B8B  }
0xa8: {  	_ =	swait.ge [sflag:s24], $0x1  }
0xa9: {  	[sflag:s24] =	ssyncset.done $0x0  }
0xaa: {  	s25 =	simm.s32 $0x1B8E;
	[sflag:s24] =	ssyncadd.s32 $0xFFFFFFFF  }
0xab: {  	s26 =	simm.s32 $execute0_lowered;
	[smem:$0x3FD2] =	sst s25  }
0xac: {  	s6 =	sshll.u32 s26, $0x1;
	_ =	strace $0x80000046;
	[dreg:$0x1] =	wrdreg $0xFFFFFFFF  }
0xad: {  	s28 =	simm.s32 $_size_execute0_lowered;
	s5 =	sadd.s32 s5, s6;
	[dreg:$0x0] =	wrdreg $0x0  }
0xae: {  	s6 =	sshll.u32 s28, $0x1;
	[dreg:$0x2] =	wrdreg s5  }
0xaf: {  	[dreg:$0x3] =	wrdreg s6  }
0xb0: {  	[dreg:$0x4] =	wrdreg $0xC0  }
0xb1: {  	_ =	task [dreg:s9], $0x5FFFF  }
0xb2: {  	[dreg:$0x1] =	wrdreg $0xFFFFFFFF  }
0xb3: {  	[dreg:$0x0] =	wrdreg $0x60  }
0xb4: {  	[dreg:$0x2] =	wrdreg s16  }
0xb5: {  	[dreg:$0x3] =	wrdreg s18  }
0xb6: {  	[dreg:$0x4] =	wrdreg s17  }
0xb7: {  	[dreg:$0x5] =	wrdreg $0x9  }
0xb8: {  	_ =	task.clear_ibuf [dreg:s9], $0x6FFFF;
	_ =	strace $0x90000046  }
0xb9: {  	s29 =	simm.s32 $0x9;
	_ =	strace $0x80000048  }
0xba: {  	_ =	swait.ge [sflag:s29], $0x1  }
0xbb: {  	[sflag:s29] =	ssyncadd.s32 $0xFFFFFFFF  }
0xbc: {  	_ =	strace $0x90000048  }
0xbd: {  	_ =	sfence  }
0xbe: {  	s30 =	sld [smem:$0x0];
	_ =	sdelay $0x2  }
0xbf: {  	s31 =	sshll.u32 s1, $0xD;
	s1 =	sshrl.u32 s1, $0x2  }
0xc0: {  	s3 =	sand.u32 $0x4000, s31;
	s1 =	sadd.s32 s1, s30  }
0xc1: {  	s0 =	sor.u32 s3, s0;
	s1 =	sshll.u32 s1, $0x11  }
0xc2: {  	s0 =	sor.u32 s1, s0  }
0xc3: {  	s0 =	sadd.s32 $0x8F2B, s0  }
0xc4: {  	[sflag:s0] =	ssyncadd.remote.s32 $0x1  }
0xc5: {  	_ =	sfence.sel $0xFFFF  }
0xc6: {  	[dreg:$0x0] =	wrdreg $0xFFFFFFFF;
	(pc) =	sbr.abs _section_cstart, $3  }
0xc7: {  	[dreg:$0x1] =	wrdreg $0xFFFFFFFF  }
0xc8: {  	_ =	task.clear_ibuf [dreg:s9], $0x2FFFF;
	_ =	strace $0x9FFFFFFF  }
0xc9: {  	(tm) =	ssettm $0x7FFFFFFF  }
tec
execute0_lowered:
.L_overlay_start_1:
0x0: {  	(tag) =	ssettag $0x1  }
0x1: {  	s1 =	rddreg [dreg:$0x0]  }
0x2: {  	s0 =	rddreg [dreg:$0x1]  }
0x3: {  	s2 =	rddreg [dreg:$0x2];
	s4 =	srdreg.scid;
	s3 =	simm.s32 $0x0  }
0x4: {  	s9 =	stileid.u32;
	s10 =	simm.s32 $0x5;
	s11 =	simm.s32 $0x400  }
0x5: {  	s28 =	simm.s32 $0x8400;
	s12 =	simm.s32 $0xB400;
	s13 =	simm.s32 $0xBC00  }
0x6: {  	s14 =	simm.s32 $0xC400;
	s15 =	simm.s32 $0xCC00;
	s16 =	simm.s32 $0xD400  }
0x7: {  	s17 =	simm.s32 $0xDC00;
	s18 =	simm.s32 $0xE400;
	s19 =	simm.s32 $0xEC00  }
0x8: {  	s20 =	simm.s32 $0xF400;
	s21 =	simm.s32 $0xFC00;
	s22 =	simm.s32 $0x1  }
0x9: {  	s23 =	simm.s32 $0x2;
	s24 =	simm.s32 $0x3;
	s25 =	simm.s32 $0x4  }
0xa: {  	s7 =	sand.u32 $0x1, s4;
	s5 =	sshll.u32 s9, $0xB;
	[smem:$0x7FF] =	sst s3  }
0xb: {  	s29 =	sshll.u32 s9, $0x12;
	s4 =	ssub.s32 $0x2, s7;
	s6 =	sshll.u32 s7, $0xA  }
0xc: {  	_ =	strace $0x80000047;
	s31 =	sshll.u32 s7, $0x11;
	s5 =	sor.u32 s6, s5  }
0xd: {  	s7 =	sadd.s32 $0x300, s1;
	s8 =	sshrl.u32 s4, $0x1;
	s26 =	sshrl.u32 s5, $0x3  }
0xe: {  	v2 =	vlaneseq.u32;
	s8 =	ssub.s32 s4, s8;
	s4 =	sadd.s32 s0, s26;
	s0 =	sadd.s32 s29, s2  }
0xf: {  	vm0 =	vmmov $0xffff;
	v1 =	vshrl.u32 v2, $0x3;
	s6 =	sadd.s32 $0x200, s1;
	s5 =	sadd.s32 $0x100, s1;
	s0 =	sadd.s32 s31, s0  }
0x10: {  	v0 =	vand.u32 $0x7, v2;
	v2 =	vor.u32 $0x8, v2;
	v1 =	vmul.u32 $0x8, v1;
	s8 =	smax.u32 s8, $0x1;
	s26 =	simm.s32 $0x0;
	s30 =	sadd.s32 $0x1000, s0  }
.LBB2_1:
0x11: {  	[tilespmem:s3], [sflag:$0x5] =	stream.linear.gather [hbm4b:s4+s3], $0x400, $0x38;
	[tilespmem:$0x10400] =	vst v63  }
0x12: {  	_ =	swait.ge [sflag:s10], $0x400  }
0x13: {  	[sflag:s10] =	ssyncset.done $0x0  }
0x14: {  	[sflag:s10] =	ssyncadd.s32 $0xFFFFFC00  }
0x15: {  	v3 =	vld [tilespmem:$0x0];
	_ =	sdelay $0x4  }
0x16: {  	v4 =	vshll.u32 v3, $0x3  }
0x17: {  	v3 =	vand.u32 $0x7, v3;
	v4 =	vand.u32 $0xFFFFFFC0, v4  }
0x18: {  	v3 =	vor.u32 v3, v4  }
0x19: {  	v4 =	vperm.xlane v3, v0;
	_ =	sdelay $0x1  }
0x1a: {  	v4 =	vadd.s32 v1, v4;
	_ =	sdelay $0x4  }
0x1b: {  	[tilespmem:s11], [sflag:$0x1] =	stream.indirect_vreg.gather [hbm4b:s1+s3], $0x80, v4, vm0, $0xb8;
	[tilespmem:$0x10400] =	vst v63  }
0x1c: {  	s0 =	simm.s32 $0xC00;
	v3 =	vperm.xlane v3, v2  }
0x1d: {  	[tilespmem:s0], [sflag:$0x1] =	stream.indirect_vreg.gather [hbm4b:s5+s3], $0x80, v4, vm0, $0xb8;
	[tilespmem:$0x10400] =	vst v63  }
0x1e: {  	s9 =	simm.s32 $0x1400;
	v3 =	vadd.s32 v1, v3  }
0x1f: {  	[tilespmem:s9], [sflag:$0x1] =	stream.indirect_vreg.gather [hbm4b:s6+s3], $0x80, v4, vm0, $0xb8;
	[tilespmem:$0x10400] =	vst v63  }
0x20: {  	s2 =	simm.s32 $0x1C00  }
0x21: {  	[tilespmem:s2], [sflag:$0x1] =	stream.indirect_vreg.gather [hbm4b:s7+s3], $0x80, v4, vm0, $0xb8;
	[tilespmem:$0x10400] =	vst v63  }
0x22: {  	s9 =	simm.s32 $0x2400  }
0x23: {  	[tilespmem:s9], [sflag:$0x1] =	stream.indirect_vreg.gather [hbm4b:s1+s3], $0x80, v3, vm0, $0xb8;
	[tilespmem:$0x10400] =	vst v63  }
0x24: {  	s2 =	simm.s32 $0x2C00  }
0x25: {  	[tilespmem:s2], [sflag:$0x1] =	stream.indirect_vreg.gather [hbm4b:s5+s3], $0x80, v3, vm0, $0xb8;
	[tilespmem:$0x10400] =	vst v63  }
0x26: {  	s9 =	simm.s32 $0x3400  }
0x27: {  	[tilespmem:s9], [sflag:$0x1] =	stream.indirect_vreg.gather [hbm4b:s6+s3], $0x80, v3, vm0, $0xb8;
	[tilespmem:$0x10400] =	vst v63  }
0x28: {  	s2 =	simm.s32 $0x3C00  }
0x29: {  	[tilespmem:s2], [sflag:$0x1] =	stream.indirect_vreg.gather [hbm4b:s7+s3], $0x80, v3, vm0, $0xb8;
	[tilespmem:$0x10400] =	vst v63  }
0x2a: {  	v3 =	vld [tilespmem:$0x10];
	_ =	sdelay $0x4  }
0x2b: {  	v61 =	vshll.u32 v3, $0x3  }
0x2c: {  	v3 =	vand.u32 $0x7, v3;
	v4 =	vand.u32 $0xFFFFFFC0, v61  }
0x2d: {  	v3 =	vor.u32 v3, v4  }
0x2e: {  	v4 =	vperm.xlane v3, v0;
	_ =	sdelay $0x1  }
0x2f: {  	v4 =	vadd.s32 v1, v4;
	_ =	sdelay $0x3  }
0x30: {  	s9 =	simm.s32 $0x4400  }
0x31: {  	[tilespmem:s9], [sflag:$0x1] =	stream.indirect_vreg.gather [hbm4b:s1+s3], $0x80, v4, vm0, $0xb8;
	[tilespmem:$0x10400] =	vst v63  }
0x32: {  	s2 =	simm.s32 $0x4C00;
	v3 =	vperm.xlane v3, v2  }
0x33: {  	[tilespmem:s2], [sflag:$0x1] =	stream.indirect_vreg.gather [hbm4b:s5+s3], $0x80, v4, vm0, $0xb8;
	[tilespmem:$0x10400] =	vst v63  }
0x34: {  	v3 =	vadd.s32 v1, v3;
	s9 =	simm.s32 $0x5400  }
0x35: {  	[tilespmem:s9], [sflag:$0x1] =	stream.indirect_vreg.gather [hbm4b:s6+s3], $0x80, v4, vm0, $0xb8;
	[tilespmem:$0x10400] =	vst v63  }
0x36: {  	s2 =	simm.s32 $0x5C00  }
0x37: {  	[tilespmem:s2], [sflag:$0x1] =	stream.indirect_vreg.gather [hbm4b:s7+s3], $0x80, v4, vm0, $0xb8;
	[tilespmem:$0x10400] =	vst v63  }
0x38: {  	s9 =	simm.s32 $0x6400  }
0x39: {  	[tilespmem:s9], [sflag:$0x1] =	stream.indirect_vreg.gather [hbm4b:s1+s3], $0x80, v3, vm0, $0xb8;
	[tilespmem:$0x10400] =	vst v63  }
0x3a: {  	s2 =	simm.s32 $0x6C00  }
0x3b: {  	[tilespmem:s2], [sflag:$0x1] =	stream.indirect_vreg.gather [hbm4b:s5+s3], $0x80, v3, vm0, $0xb8;
	[tilespmem:$0x10400] =	vst v63  }
0x3c: {  	s9 =	simm.s32 $0x7400  }
0x3d: {  	[tilespmem:s9], [sflag:$0x1] =	stream.indirect_vreg.gather [hbm4b:s6+s3], $0x80, v3, vm0, $0xb8;
	[tilespmem:$0x10400] =	vst v63  }
0x3e: {  	s2 =	simm.s32 $0x7C00  }
0x3f: {  	[tilespmem:s2], [sflag:$0x1] =	stream.indirect_vreg.gather [hbm4b:s7+s3], $0x80, v3, vm0, $0xb8;
	[tilespmem:$0x10400] =	vst v63  }
0x40: {  	v3 =	vld [tilespmem:$0x20];
	_ =	sdelay $0x4  }
0x41: {  	v62 =	vshll.u32 v3, $0x3  }
0x42: {  	v3 =	vand.u32 $0x7, v3;
	v4 =	vand.u32 $0xFFFFFFC0, v62  }
0x43: {  	v3 =	vor.u32 v3, v4  }
0x44: {  	v4 =	vperm.xlane v3, v0;
	_ =	sdelay $0x1  }
0x45: {  	v4 =	vadd.s32 v1, v4;
	_ =	sdelay $0x4  }
0x46: {  	[tilespmem:s28], [sflag:$0x2] =	stream.indirect_vreg.gather [hbm4b:s1+s3], $0x80, v4, vm0, $0xb8;
	[tilespmem:$0x10400] =	vst v63  }
0x47: {  	s9 =	simm.s32 $0x8C00;
	v3 =	vperm.xlane v3, v2  }
0x48: {  	[tilespmem:s9], [sflag:$0x2] =	stream.indirect_vreg.gather [hbm4b:s5+s3], $0x80, v4, vm0, $0xb8;
	[tilespmem:$0x10400] =	vst v63  }
0x49: {  	s2 =	simm.s32 $0x9400;
	v3 =	vadd.s32 v1, v3  }
0x4a: {  	[tilespmem:s2], [sflag:$0x2] =	stream.indirect_vreg.gather [hbm4b:s6+s3], $0x80, v4, vm0, $0xb8;
	[tilespmem:$0x10400] =	vst v63  }
0x4b: {  	s9 =	simm.s32 $0x9C00  }
0x4c: {  	[tilespmem:s9], [sflag:$0x2] =	stream.indirect_vreg.gather [hbm4b:s7+s3], $0x80, v4, vm0, $0xb8;
	[tilespmem:$0x10400] =	vst v63  }
0x4d: {  	s2 =	simm.s32 $0xA400  }
0x4e: {  	[tilespmem:s2], [sflag:$0x2] =	stream.indirect_vreg.gather [hbm4b:s1+s3], $0x80, v3, vm0, $0xb8;
	[tilespmem:$0x10400] =	vst v63  }
0x4f: {  	s9 =	simm.s32 $0xAC00  }
0x50: {  	[tilespmem:s9], [sflag:$0x2] =	stream.indirect_vreg.gather [hbm4b:s5+s3], $0x80, v3, vm0, $0xb8;
	[tilespmem:$0x10400] =	vst v63  }
0x51: {  	_ = 	snop  }
0x52: {  	[tilespmem:s12], [sflag:$0x2] =	stream.indirect_vreg.gather [hbm4b:s6+s3], $0x80, v3, vm0, $0xb8;
	[tilespmem:$0x10400] =	vst v63  }
0x53: {  	_ = 	snop  }
0x54: {  	[tilespmem:s13], [sflag:$0x2] =	stream.indirect_vreg.gather [hbm4b:s7+s3], $0x80, v3, vm0, $0xb8;
	[tilespmem:$0x10400] =	vst v63  }
0x55: {  	v3 =	vld [tilespmem:$0x30];
	_ =	sdelay $0x4  }
0x56: {  	v63 =	vshll.u32 v3, $0x3  }
0x57: {  	v3 =	vand.u32 $0x7, v3;
	v4 =	vand.u32 $0xFFFFFFC0, v63  }
0x58: {  	v3 =	vor.u32 v3, v4  }
0x59: {  	v4 =	vperm.xlane v3, v0;
	_ =	sdelay $0x1  }
0x5a: {  	v4 =	vadd.s32 v1, v4;
	_ =	sdelay $0x4  }
0x5b: {  	[tilespmem:s14], [sflag:$0x2] =	stream.indirect_vreg.gather [hbm4b:s1+s3], $0x80, v4, vm0, $0xb8;
	[tilespmem:$0x10400] =	vst v63  }
0x5c: {  	v3 =	vperm.xlane v3, v2  }
0x5d: {  	[tilespmem:s15], [sflag:$0x2] =	stream.indirect_vreg.gather [hbm4b:s5+s3], $0x80, v4, vm0, $0xb8;
	[tilespmem:$0x10400] =	vst v63  }
0x5e: {  	v3 =	vadd.s32 v1, v3  }
0x5f: {  	[tilespmem:s16], [sflag:$0x2] =	stream.indirect_vreg.gather [hbm4b:s6+s3], $0x80, v4, vm0, $0xb8;
	[tilespmem:$0x10400] =	vst v63  }
0x60: {  	_ = 	snop  }
0x61: {  	[tilespmem:s17], [sflag:$0x2] =	stream.indirect_vreg.gather [hbm4b:s7+s3], $0x80, v4, vm0, $0xb8;
	[tilespmem:$0x10400] =	vst v63  }
0x62: {  	_ = 	snop  }
0x63: {  	[tilespmem:s18], [sflag:$0x2] =	stream.indirect_vreg.gather [hbm4b:s1+s3], $0x80, v3, vm0, $0xb8;
	[tilespmem:$0x10400] =	vst v63  }
0x64: {  	_ = 	snop  }
0x65: {  	[tilespmem:s19], [sflag:$0x2] =	stream.indirect_vreg.gather [hbm4b:s5+s3], $0x80, v3, vm0, $0xb8;
	[tilespmem:$0x10400] =	vst v63  }
0x66: {  	_ = 	snop  }
0x67: {  	[tilespmem:s20], [sflag:$0x2] =	stream.indirect_vreg.gather [hbm4b:s6+s3], $0x80, v3, vm0, $0xb8;
	[tilespmem:$0x10400] =	vst v63  }
0x68: {  	s29 =	simm.s32 $0x30;
	s31 =	simm.s32 $0x1;
	s9 =	smov.u32 s30  }
0x69: {  	[tilespmem:s21], [sflag:$0x2] =	stream.indirect_vreg.gather [hbm4b:s7+s3], $0x80, v3, vm0, $0xb8;
	[tilespmem:$0x10400] =	vst v63  }
.LBB2_2:
0x6a: {  	_ =	swait.ge [sflag:s22], $0x8000  }
0x6b: {  	s2 =	sadd.s32 $0xFFFFFFFD, s31;
	[sflag:s22] =	ssyncset.done $0x0  }
0x6c: {  	s0 =	sadd.s32 $0xFFFFF000, s9;
	p0 =	sgt.u32 s2, $0x1D;
	[sflag:s22] =	ssyncadd.s32 $0xFFFF8000  }
0x6d: {  	[hbm4b:s0+s3] =	stream.linear.scatter [tilespmem:s11], [sflag:$0x3], $0x8000, $0x38;
	[tilespmem:$0x10400] =	vst v63  }
0x6e: {  	s0 =	simm.s32 @!p0 $0x4  }
0x6f: {  	_ =	swait.ge @!p0 [sflag:s0], $0x8000  }
0x70: {  	[sflag:s0] =	ssyncset.done @!p0 $0x0  }
0x71: {  	[sflag:s0] =	ssyncadd.s32 @!p0 $0xFFFF8000  }
0x72: {  	v3 =	vld @!p0 [tilespmem:s29+$0xFFFFFFF0];
	_ =	sdelay $0x4  }
0x73: {  	v4 =	vshll.u32 @!p0 v3, $0x3  }
0x74: {  	v5 =	vlaneseq.u32 @!p0;
	v3 =	vand.u32 @!p0 $0x7, v3;
	v4 =	vand.u32 @!p0 $0xFFFFFFC0, v4  }
0x75: {  	v6 =	vshrl.u32 @!p0 v5, $0x3;
	v3 =	vor.u32 @!p0 v3, v4;
	v4 =	vand.u32 @!p0 $0x7, v5  }
0x76: {  	v6 =	vmul.u32 @!p0 $0x8, v6;
	v7 =	vperm.xlane @!p0 v3, v4;
	_ =	sdelay $0x1  }
0x77: {  	v7 =	vadd.s32 @!p0 v6, v7;
	_ =	sdelay $0x3  }
0x78: {  	vm1 =	vmmov @!p0 $0xffff;
	s2 =	simm.s32 @!p0 $0x8400;
	s0 =	simm.s32 @!p0 $0x0  }
0x79: {  	v5 =	vor.u32 @!p0 $0x8, v5;
	[tilespmem:s2], [sflag:$0x2] =	stream.indirect_vreg.gather @!p0 [hbm4b:s1+s0], $0x80, v7, vm1, $0xb8;
	[tilespmem:$0x10400] =	vst v63  }
0x7a: {  	v3 =	vperm.xlane @!p0 v3, v5;
	s2 =	simm.s32 @!p0 $0x8C00  }
0x7b: {  	[tilespmem:s2], [sflag:$0x2] =	stream.indirect_vreg.gather @!p0 [hbm4b:s5+s0], $0x80, v7, vm1, $0xb8;
	[tilespmem:$0x10400] =	vst v63  }
0x7c: {  	v3 =	vadd.s32 @!p0 v6, v3;
	s2 =	simm.s32 @!p0 $0x9400  }
0x7d: {  	[tilespmem:s2], [sflag:$0x2] =	stream.indirect_vreg.gather @!p0 [hbm4b:s6+s0], $0x80, v7, vm1, $0xb8;
	[tilespmem:$0x10400] =	vst v63  }
0x7e: {  	s2 =	simm.s32 @!p0 $0x9C00  }
0x7f: {  	[tilespmem:s2], [sflag:$0x2] =	stream.indirect_vreg.gather @!p0 [hbm4b:s7+s0], $0x80, v7, vm1, $0xb8;
	[tilespmem:$0x10400] =	vst v63  }
0x80: {  	s2 =	simm.s32 @!p0 $0xA400  }
0x81: {  	[tilespmem:s2], [sflag:$0x2] =	stream.indirect_vreg.gather @!p0 [hbm4b:s1+s0], $0x80, v3, vm1, $0xb8;
	[tilespmem:$0x10400] =	vst v63  }
0x82: {  	s2 =	simm.s32 @!p0 $0xAC00  }
0x83: {  	[tilespmem:s2], [sflag:$0x2] =	stream.indirect_vreg.gather @!p0 [hbm4b:s5+s0], $0x80, v3, vm1, $0xb8;
	[tilespmem:$0x10400] =	vst v63  }
0x84: {  	s2 =	simm.s32 @!p0 $0xB400  }
0x85: {  	[tilespmem:s2], [sflag:$0x2] =	stream.indirect_vreg.gather @!p0 [hbm4b:s6+s0], $0x80, v3, vm1, $0xb8;
	[tilespmem:$0x10400] =	vst v63  }
0x86: {  	s2 =	simm.s32 @!p0 $0xBC00  }
0x87: {  	[tilespmem:s2], [sflag:$0x2] =	stream.indirect_vreg.gather @!p0 [hbm4b:s7+s0], $0x80, v3, vm1, $0xb8;
	[tilespmem:$0x10400] =	vst v63  }
0x88: {  	v3 =	vld @!p0 [tilespmem:s29+$0x0];
	_ =	sdelay $0x4  }
0x89: {  	v7 =	vshll.u32 @!p0 v3, $0x3  }
0x8a: {  	v3 =	vand.u32 @!p0 $0x7, v3;
	v7 =	vand.u32 @!p0 $0xFFFFFFC0, v7  }
0x8b: {  	v3 =	vor.u32 @!p0 v3, v7  }
0x8c: {  	v4 =	vperm.xlane @!p0 v3, v4;
	_ =	sdelay $0x1  }
0x8d: {  	v4 =	vadd.s32 @!p0 v6, v4;
	_ =	sdelay $0x3  }
0x8e: {  	s2 =	simm.s32 @!p0 $0xC400  }
0x8f: {  	[tilespmem:s2], [sflag:$0x2] =	stream.indirect_vreg.gather @!p0 [hbm4b:s1+s0], $0x80, v4, vm1, $0xb8;
	[tilespmem:$0x10400] =	vst v63  }
0x90: {  	v3 =	vperm.xlane @!p0 v3, v5;
	s2 =	simm.s32 @!p0 $0xCC00  }
0x91: {  	[tilespmem:s2], [sflag:$0x2] =	stream.indirect_vreg.gather @!p0 [hbm4b:s5+s0], $0x80, v4, vm1, $0xb8;
	[tilespmem:$0x10400] =	vst v63  }
0x92: {  	v3 =	vadd.s32 @!p0 v6, v3;
	s2 =	simm.s32 @!p0 $0xD400  }
0x93: {  	[tilespmem:s2], [sflag:$0x2] =	stream.indirect_vreg.gather @!p0 [hbm4b:s6+s0], $0x80, v4, vm1, $0xb8;
	[tilespmem:$0x10400] =	vst v63  }
0x94: {  	s2 =	simm.s32 @!p0 $0xDC00  }
0x95: {  	[tilespmem:s2], [sflag:$0x2] =	stream.indirect_vreg.gather @!p0 [hbm4b:s7+s0], $0x80, v4, vm1, $0xb8;
	[tilespmem:$0x10400] =	vst v63  }
0x96: {  	s2 =	simm.s32 @!p0 $0xE400  }
0x97: {  	[tilespmem:s2], [sflag:$0x2] =	stream.indirect_vreg.gather @!p0 [hbm4b:s1+s0], $0x80, v3, vm1, $0xb8;
	[tilespmem:$0x10400] =	vst v63  }
0x98: {  	s2 =	simm.s32 @!p0 $0xEC00  }
0x99: {  	[tilespmem:s2], [sflag:$0x2] =	stream.indirect_vreg.gather @!p0 [hbm4b:s5+s0], $0x80, v3, vm1, $0xb8;
	[tilespmem:$0x10400] =	vst v63  }
0x9a: {  	s2 =	simm.s32 @!p0 $0xF400  }
0x9b: {  	[tilespmem:s2], [sflag:$0x2] =	stream.indirect_vreg.gather @!p0 [hbm4b:s6+s0], $0x80, v3, vm1, $0xb8;
	[tilespmem:$0x10400] =	vst v63  }
0x9c: {  	s2 =	simm.s32 @!p0 $0xFC00  }
0x9d: {  	[tilespmem:s2], [sflag:$0x2] =	stream.indirect_vreg.gather @!p0 [hbm4b:s7+s0], $0x80, v3, vm1, $0xb8;
	[tilespmem:$0x10400] =	vst v63  }
0x9e: {  	_ =	swait.ge [sflag:s23], $0x8000  }
0x9f: {  	p0 =	sgt.u32 s31, $0x1E;
	[sflag:s23] =	ssyncset.done $0x0  }
0xa0: {  	s0 =	simm.s32 @!p0 $0x3;
	[sflag:s23] =	ssyncadd.s32 $0xFFFF8000  }
0xa1: {  	[hbm4b:s9+s3] =	stream.linear.scatter [tilespmem:s28], [sflag:$0x4], $0x8000, $0x38;
	[tilespmem:$0x10400] =	vst v63  }
0xa2: {  	_ =	swait.ge @!p0 [sflag:s0], $0x8000  }
0xa3: {  	[sflag:s0] =	ssyncset.done @!p0 $0x0  }
0xa4: {  	[sflag:s0] =	ssyncadd.s32 @!p0 $0xFFFF8000  }
0xa5: {  	v3 =	vld @!p0 [tilespmem:s29+$0x10];
	_ =	sdelay $0x4  }
0xa6: {  	v4 =	vshll.u32 @!p0 v3, $0x3  }
0xa7: {  	v5 =	vlaneseq.u32 @!p0;
	v3 =	vand.u32 @!p0 $0x7, v3;
	v4 =	vand.u32 @!p0 $0xFFFFFFC0, v4  }
0xa8: {  	v6 =	vshrl.u32 @!p0 v5, $0x3;
	v3 =	vor.u32 @!p0 v3, v4;
	v4 =	vand.u32 @!p0 $0x7, v5  }
0xa9: {  	v6 =	vmul.u32 @!p0 $0x8, v6;
	v7 =	vperm.xlane @!p0 v3, v4;
	_ =	sdelay $0x1  }
0xaa: {  	v7 =	vadd.s32 @!p0 v6, v7;
	_ =	sdelay $0x3  }
0xab: {  	vm1 =	vmmov @!p0 $0xffff;
	s2 =	simm.s32 @!p0 $0x400;
	s0 =	simm.s32 @!p0 $0x0  }
0xac: {  	v5 =	vor.u32 @!p0 $0x8, v5;
	[tilespmem:s2], [sflag:$0x1] =	stream.indirect_vreg.gather @!p0 [hbm4b:s1+s0], $0x80, v7, vm1, $0xb8;
	[tilespmem:$0x10400] =	vst v63  }
0xad: {  	v3 =	vperm.xlane @!p0 v3, v5;
	s2 =	simm.s32 @!p0 $0xC00  }
0xae: {  	[tilespmem:s2], [sflag:$0x1] =	stream.indirect_vreg.gather @!p0 [hbm4b:s5+s0], $0x80, v7, vm1, $0xb8;
	[tilespmem:$0x10400] =	vst v63  }
0xaf: {  	v3 =	vadd.s32 @!p0 v6, v3;
	s2 =	simm.s32 @!p0 $0x1400  }
0xb0: {  	[tilespmem:s2], [sflag:$0x1] =	stream.indirect_vreg.gather @!p0 [hbm4b:s6+s0], $0x80, v7, vm1, $0xb8;
	[tilespmem:$0x10400] =	vst v63  }
0xb1: {  	s2 =	simm.s32 @!p0 $0x1C00  }
0xb2: {  	[tilespmem:s2], [sflag:$0x1] =	stream.indirect_vreg.gather @!p0 [hbm4b:s7+s0], $0x80, v7, vm1, $0xb8;
	[tilespmem:$0x10400] =	vst v63  }
0xb3: {  	s2 =	simm.s32 @!p0 $0x2400  }
0xb4: {  	[tilespmem:s2], [sflag:$0x1] =	stream.indirect_vreg.gather @!p0 [hbm4b:s1+s0], $0x80, v3, vm1, $0xb8;
	[tilespmem:$0x10400] =	vst v63  }
0xb5: {  	s2 =	simm.s32 @!p0 $0x2C00  }
0xb6: {  	[tilespmem:s2], [sflag:$0x1] =	stream.indirect_vreg.gather @!p0 [hbm4b:s5+s0], $0x80, v3, vm1, $0xb8;
	[tilespmem:$0x10400] =	vst v63  }
0xb7: {  	s2 =	simm.s32 @!p0 $0x3400  }
0xb8: {  	[tilespmem:s2], [sflag:$0x1] =	stream.indirect_vreg.gather @!p0 [hbm4b:s6+s0], $0x80, v3, vm1, $0xb8;
	[tilespmem:$0x10400] =	vst v63  }
0xb9: {  	s2 =	simm.s32 @!p0 $0x3C00  }
0xba: {  	[tilespmem:s2], [sflag:$0x1] =	stream.indirect_vreg.gather @!p0 [hbm4b:s7+s0], $0x80, v3, vm1, $0xb8;
	[tilespmem:$0x10400] =	vst v63  }
0xbb: {  	v3 =	vld @!p0 [tilespmem:s29+$0x20];
	_ =	sdelay $0x4  }
0xbc: {  	v7 =	vshll.u32 @!p0 v3, $0x3  }
0xbd: {  	v3 =	vand.u32 @!p0 $0x7, v3;
	v7 =	vand.u32 @!p0 $0xFFFFFFC0, v7  }
0xbe: {  	v3 =	vor.u32 @!p0 v3, v7  }
0xbf: {  	v4 =	vperm.xlane @!p0 v3, v4;
	_ =	sdelay $0x1  }
0xc0: {  	v4 =	vadd.s32 @!p0 v6, v4;
	_ =	sdelay $0x3  }
0xc1: {  	s2 =	simm.s32 @!p0 $0x4400  }
0xc2: {  	[tilespmem:s2], [sflag:$0x1] =	stream.indirect_vreg.gather @!p0 [hbm4b:s1+s0], $0x80, v4, vm1, $0xb8;
	[tilespmem:$0x10400] =	vst v63  }
0xc3: {  	v3 =	vperm.xlane @!p0 v3, v5;
	s2 =	simm.s32 @!p0 $0x4C00  }
0xc4: {  	[tilespmem:s2], [sflag:$0x1] =	stream.indirect_vreg.gather @!p0 [hbm4b:s5+s0], $0x80, v4, vm1, $0xb8;
	[tilespmem:$0x10400] =	vst v63  }
0xc5: {  	v3 =	vadd.s32 @!p0 v6, v3;
	s2 =	simm.s32 @!p0 $0x5400  }
0xc6: {  	[tilespmem:s2], [sflag:$0x1] =	stream.indirect_vreg.gather @!p0 [hbm4b:s6+s0], $0x80, v4, vm1, $0xb8;
	[tilespmem:$0x10400] =	vst v63  }
0xc7: {  	s2 =	simm.s32 @!p0 $0x5C00  }
0xc8: {  	[tilespmem:s2], [sflag:$0x1] =	stream.indirect_vreg.gather @!p0 [hbm4b:s7+s0], $0x80, v4, vm1, $0xb8;
	[tilespmem:$0x10400] =	vst v63  }
0xc9: {  	s2 =	simm.s32 @!p0 $0x6400  }
0xca: {  	[tilespmem:s2], [sflag:$0x1] =	stream.indirect_vreg.gather @!p0 [hbm4b:s1+s0], $0x80, v3, vm1, $0xb8;
	[tilespmem:$0x10400] =	vst v63  }
0xcb: {  	s2 =	simm.s32 @!p0 $0x6C00  }
0xcc: {  	[tilespmem:s2], [sflag:$0x1] =	stream.indirect_vreg.gather @!p0 [hbm4b:s5+s0], $0x80, v3, vm1, $0xb8;
	[tilespmem:$0x10400] =	vst v63  }
0xcd: {  	s2 =	simm.s32 @!p0 $0x7400  }
0xce: {  	[tilespmem:s2], [sflag:$0x1] =	stream.indirect_vreg.gather @!p0 [hbm4b:s6+s0], $0x80, v3, vm1, $0xb8;
	[tilespmem:$0x10400] =	vst v63  }
0xcf: {  	s31 =	sadd.s32 $0x2, s31;
	s2 =	simm.s32 @!p0 $0x7C00  }
0xd0: {  	[tilespmem:s2], [sflag:$0x1] =	stream.indirect_vreg.gather @!p0 [hbm4b:s7+s0], $0x80, v3, vm1, $0xb8;
	[tilespmem:$0x10400] =	vst v63  }
0xd1: {  	p0 =	sne.s32 s31, $0x21  }
.Ltmp0:
0xd2: {  	_ = 	snop;
	(pc) =	sbr.rel @p0 .LBB2_2-.Ltmp0, $2  }
0xd3: {  	_ =	sdelay $0x2  }
0xd4: {  	s9 =	sadd.s32 $0x2000, s9;
	s29 =	sadd.s32 $0x40, s29  }
0xd5: {  	s26 =	sadd.s32 $0x1, s26  }
0xd6: {  	_ =	swait.ge [sflag:s24], $0x8000;
	p0 =	sne.s32 s26, s8  }
.Ltmp1:
0xd7: {  	[sflag:s24] =	ssyncset.done $0x0;
	(pc) =	sbr.rel @p0 .LBB2_1-.Ltmp1, $4  }
0xd8: {  	[sflag:s24] =	ssyncadd.s32 $0xFFFF8000  }
0xd9: {  	_ =	swait.ge [sflag:s25], $0x8000  }
0xda: {  	[sflag:s25] =	ssyncset.done $0x0  }
0xdb: {  	[sflag:s25] =	ssyncadd.s32 $0xFFFF8000  }
0xdc: {  	_ =	sfence.sel $0x180000  }
0xdd: {  	[bflag:$0x0] =	sbarrier.arrive $0xFFFF  }
0xde: {  	_ =	strace $0x90000047  }
0xdf: {  	s0 =	stileid.u32;
	[bflag:$0x2] =	sbarrier.arrive $0xFFFF  }
0xe0: {  	p0 =	sne.s32 s0, $0x0;
	s0 =	rddreg [dreg:$0x3]  }
0xe1: {  	s0 =	sadd.s32 @!p0 $0x100000, s0  }
0xe2: {  	[sflag:s0] =	ssyncadd.tile.s32 @!p0 $0x1;
	_ =	shalt  }
.Lfunc_end2:
_tile_overlayer_lowered:
.L_overlay_start_2:
0xe3: {  	(tag) =	ssettag $0x2  }
0xe4: {  	s0 =	rddreg [dreg:$0x0];
	s2 =	stileid.u32  }
0xe5: {  	s1 =	rddreg [dreg:$0x1];
	p0 =	sne.s32 s2, $0x0  }
0xe6: {  	s3 =	rddreg [dreg:$0x2];
	[bflag:$0x3] =	sbarrier.arrive $0xFFFF;
	s2 =	simm.s32 @!p0 $0x1C05  }
0xe7: {  	[timem:s3], [sflag:s2] =	dma.local @!p0 [hbm:s0], s1  }
0xe8: {  	s0 =	simm.s32 @!p0 $0x5  }
0xe9: {  	_ =	swait.ge @!p0 [sflag:s0], s1  }
0xea: {  	s1 =	ssub.s32 @!p0 $0x0, s1;
	[sflag:s0] =	ssyncset.done @!p0 $0x0  }
0xeb: {  	[sflag:s0] =	ssyncadd.s32 @!p0 s1  }
0xec: {  	[bflag:$0x3] =	sbarrier.arrive $0xFFFF  }
0xed: {  	_ =	shalt  }

</sc_bundles>
